<compile_context>
chip_gen: v7x
topology: tpu7x:2x2x1
jax: 0.10.2.dev20260603
libtpu: 0.0.44.dev20260713+nightly
codegen_flags: <defaults>
</compile_context>

<pallas_src>
import jax
import jax.numpy as jnp
from jax.experimental import pallas as pl
from jax.experimental.pallas import tpu as pltpu

B, C, H, W = 2, 768, 224, 224
S = H * W
SL, LN = 392, 128


def _index_kernel(yact_ref, idx_ref):
    yact = yact_ref[...]
    yact_t = jnp.transpose(yact)
    col_i = jax.lax.broadcasted_iota(jnp.int32, (C, C), 1)
    row_i = jax.lax.broadcasted_iota(jnp.int32, (C, C), 0)
    for b in range(B):
        vrow = jnp.broadcast_to(yact[b:b + 1, :], (C, C))
        vcol = jnp.broadcast_to(yact_t[:, b:b + 1], (C, C))
        before = jnp.logical_or(
            vrow > vcol,
            jnp.logical_and(vrow == vcol, col_i < row_i))
        rank_col = jnp.sum(before.astype(jnp.int32), axis=1, keepdims=True)
        hit = (jnp.broadcast_to(rank_col, (C, C)) == col_i)
        idx_row = jnp.sum(jnp.where(hit, row_i, 0), axis=0, keepdims=True)
        idx_ref[b:b + 1, :] = idx_row + b * C


def _compute_indices(yact):
    return pl.pallas_call(
        _index_kernel,
        in_specs=[pl.BlockSpec((B, C), lambda: (0, 0))],
        out_specs=pl.BlockSpec((B, C), lambda: (0, 0)),
        out_shape=jax.ShapeDtypeStruct((B, C), jnp.int32),
    )(yact)


NBUF = 8


def _gather_kernel(idx_ref, x_ref, out_ref, sems):
    g = pl.program_id(0)
    pltpu.make_async_copy(
        x_ref.at[idx_ref[g]], out_ref.at[g], sems.at[g % NBUF]).start()

    @pl.when(g >= NBUF - 1)
    def _drain_one():
        pltpu.make_async_copy(
            x_ref.at[0], out_ref.at[0], sems.at[(g + 1) % NBUF]).wait()

    @pl.when(g == B * C - 1)
    def _drain_rest():
        for k in range(NBUF - 1):
            pltpu.make_async_copy(
                x_ref.at[0], out_ref.at[0], sems.at[(g + 2 + k) % NBUF]).wait()


def _gather(x5, idx):
    grid_spec = pltpu.PrefetchScalarGridSpec(
        num_scalar_prefetch=1,
        grid=(B * C,),
        in_specs=[pl.BlockSpec(memory_space=pltpu.MemorySpace.HBM)],
        out_specs=pl.BlockSpec(memory_space=pltpu.MemorySpace.HBM),
        scratch_shapes=[pltpu.SemaphoreType.DMA((NBUF,))],
    )
    return pl.pallas_call(
        _gather_kernel,
        grid_spec=grid_spec,
        out_shape=jax.ShapeDtypeStruct((B * C, H, W), jnp.float32),
    )(idx.reshape(B * C), x5)


@jax.jit
def kernel(x, conv_w):
    x5 = x.reshape(B * C, H, W)
    y = jnp.mean(x, axis=(2, 3))
    yp = jnp.pad(y, ((0, 0), (1, 1)))
    wk = conv_w.reshape(3)
    yc = wk[0] * yp[:, :-2] + wk[1] * yp[:, 1:-1] + wk[2] * yp[:, 2:]
    yact = jax.nn.sigmoid(yc)
    idx = _compute_indices(yact)
    return _gather(x5, idx).reshape(B, C, H, W)

# --- scband reference (transcript-rebuilt; emitter-appended) ---
"""Pipeline reference for scband-eca-layer-38422777430543 (READ-ONLY COPY).

The authoritative reference and input builder live on the scoring server;
editing this copy changes nothing except your own understanding.
"""

import jax, jax.numpy as jnp
import numpy as np

def setup_inputs(seed: int = 0) -> dict:
    key = jax.random.key(seed)
    k1, k2 = jax.random.split(key)
    x = jax.random.normal(k1, (2, 768, 224, 224), dtype=jnp.float32)
    conv_w = jax.random.normal(k2, (1, 1, 3), dtype=jnp.float32)
    return {"x": x, "conv_w": conv_w}

def reference(x, conv_w):
    b, c, h, w = x.shape
    # AdaptiveAvgPool2d(1): global mean over spatial dims -> [b, c]
    y = jnp.mean(x, axis=(2, 3))
    # Conv1d(1,1,k=3,pad=1,bias=False) applied along channel dim
    yp = jnp.pad(y, ((0, 0), (1, 1)))
    wk = conv_w.reshape(3)
    yc = wk[0] * yp[:, :-2] + wk[1] * yp[:, 1:-1] + wk[2] * yp[:, 2:]
    yact = jax.nn.sigmoid(yc)  # [b, c]
    # topk over channels, k = c, sorted descending (matches torch.topk largest=True, sorted=True)
    values, indices = jax.lax.top_k(yact, c)  # [b, c]
    # per-batch index_select along channel dim == take_along_axis with broadcast indices
    out = jnp.take_along_axis(x, indices[:, :, None, None], axis=1)
    return out

if __name__ == "__main__":
    import jax
    _d = setup_inputs()
    print(jax.jit(kernel)(*tuple(_d.values())))

</pallas_src>

<mosaic_0001>
module attributes {stable_mosaic.version = 14 : i64} {
  func.func @_index_kernel(%arg0: memref<2x768xf32, #tpu.memory_space<vmem>>, %arg1: memref<2x768xi32, #tpu.memory_space<vmem>>) attributes {dimension_semantics = [], scalar_prefetch = 0 : i64, scratch_operands = 0 : i64, tpu.core_type = #tpu.core_type<tc>} {
    %get3A = arith.constant 0 : index
    %get3A_0 = arith.constant 0 : index
    %get3A_1 = vector.load %arg0[%get3A, %get3A_0] : memref<2x768xf32, #tpu.memory_space<vmem>>, vector<2x768xf32>
    %transpose3A = tpu.transpose %get3A_1, [1, 0] : vector<2x768xf32> -> vector<768x2xf32>
    %iota3A = tpu.iota {dimensions = array<i32: 1>} : vector<768x768xi32>
    %iota3A_2 = tpu.iota {dimensions = array<i32: 0>} : vector<768x768xi32>
    %slice3A = vector.extract_strided_slice %get3A_1 {offsets = [0, 0], sizes = [1, 768], strides = [1, 1]} : vector<2x768xf32> to vector<1x768xf32>
    %broadcast_in_dim3A = vector.shape_cast %slice3A : vector<1x768xf32> to vector<1x768xf32>
    %broadcast_in_dim3A_3 = vector.broadcast %broadcast_in_dim3A : vector<1x768xf32> to vector<768x768xf32>
    %slice3A_4 = vector.extract_strided_slice %transpose3A {offsets = [0, 0], sizes = [768, 1], strides = [1, 1]} : vector<768x2xf32> to vector<768x1xf32>
    %broadcast_in_dim3A_5 = vector.shape_cast %slice3A_4 : vector<768x1xf32> to vector<768x1xf32>
    %broadcast_in_dim3A_6 = vector.broadcast %broadcast_in_dim3A_5 : vector<768x1xf32> to vector<768x768xf32>
    %gt3A = arith.cmpf ogt, %broadcast_in_dim3A_3, %broadcast_in_dim3A_6 : vector<768x768xf32>
    %eq3A = arith.cmpf oeq, %broadcast_in_dim3A_3, %broadcast_in_dim3A_6 : vector<768x768xf32>
    %lt3A = arith.cmpi slt, %iota3A, %iota3A_2 : vector<768x768xi32>
    %and3A = arith.andi %eq3A, %lt3A : vector<768x768xi1>
    %or3A = arith.ori %gt3A, %and3A : vector<768x768xi1>
    %convert_element_type3A = arith.extui %or3A : vector<768x768xi1> to vector<768x768xi32>
    %reduce_sum3A = arith.constant dense<0> : vector<768xi32>
    %reduce_sum3A_7 = vector.multi_reduction <add>, %convert_element_type3A, %reduce_sum3A [1] : vector<768x768xi32> to vector<768xi32>
    %broadcast_in_dim3A_8 = vector.shape_cast %reduce_sum3A_7 : vector<768xi32> to vector<768x1xi32>
    %broadcast_in_dim3A_9 = vector.shape_cast %broadcast_in_dim3A_8 : vector<768x1xi32> to vector<768x1xi32>
    %broadcast_in_dim3A_10 = vector.broadcast %broadcast_in_dim3A_9 : vector<768x1xi32> to vector<768x768xi32>
    %eq3A_11 = arith.cmpi eq, %broadcast_in_dim3A_10, %iota3A : vector<768x768xi32>
    %jit3A = arith.constant 0 : i32
    %broadcast_in_dim3A_12 = vector.broadcast %jit3A : i32 to vector<768x768xi32>
    %select_n3A = arith.select %eq3A_11, %iota3A_2, %broadcast_in_dim3A_12 : vector<768x768xi1>, vector<768x768xi32>
    %reduce_sum3A_13 = arith.constant dense<0> : vector<768xi32>
    %reduce_sum3A_14 = vector.multi_reduction <add>, %select_n3A, %reduce_sum3A_13 [0] : vector<768x768xi32> to vector<768xi32>
    %broadcast_in_dim3A_15 = vector.shape_cast %reduce_sum3A_14 : vector<768xi32> to vector<1x768xi32>
    %add3A = arith.constant 0 : i32
    %add3A_16 = vector.broadcast %add3A : i32 to vector<1x768xi32>
    %add3A_17 = arith.addi %broadcast_in_dim3A_15, %add3A_16 : vector<1x768xi32>
    %swap3A = arith.constant 0 : index
    %swap3A_18 = arith.constant 0 : index
    %swap3A_19 = vector.load %arg1[%swap3A, %swap3A_18] : memref<2x768xi32, #tpu.memory_space<vmem>>, vector<1x768xi32>
    tpu.vector_store %arg1[%swap3A, %swap3A_18], %add3A_17 {strides = array<i32>} : memref<2x768xi32, #tpu.memory_space<vmem>>, vector<1x768xi32>,
    %slice3A_20 = vector.extract_strided_slice %get3A_1 {offsets = [1, 0], sizes = [1, 768], strides = [1, 1]} : vector<2x768xf32> to vector<1x768xf32>
    %broadcast_in_dim3A_21 = vector.shape_cast %slice3A_20 : vector<1x768xf32> to vector<1x768xf32>
    %broadcast_in_dim3A_22 = vector.broadcast %broadcast_in_dim3A_21 : vector<1x768xf32> to vector<768x768xf32>
    %slice3A_23 = vector.extract_strided_slice %transpose3A {offsets = [0, 1], sizes = [768, 1], strides = [1, 1]} : vector<768x2xf32> to vector<768x1xf32>
    %broadcast_in_dim3A_24 = vector.shape_cast %slice3A_23 : vector<768x1xf32> to vector<768x1xf32>
    %broadcast_in_dim3A_25 = vector.broadcast %broadcast_in_dim3A_24 : vector<768x1xf32> to vector<768x768xf32>
    %gt3A_26 = arith.cmpf ogt, %broadcast_in_dim3A_22, %broadcast_in_dim3A_25 : vector<768x768xf32>
    %eq3A_27 = arith.cmpf oeq, %broadcast_in_dim3A_22, %broadcast_in_dim3A_25 : vector<768x768xf32>
    %lt3A_28 = arith.cmpi slt, %iota3A, %iota3A_2 : vector<768x768xi32>
    %and3A_29 = arith.andi %eq3A_27, %lt3A_28 : vector<768x768xi1>
    %or3A_30 = arith.ori %gt3A_26, %and3A_29 : vector<768x768xi1>
    %convert_element_type3A_31 = arith.extui %or3A_30 : vector<768x768xi1> to vector<768x768xi32>
    %reduce_sum3A_32 = arith.constant dense<0> : vector<768xi32>
    %reduce_sum3A_33 = vector.multi_reduction <add>, %convert_element_type3A_31, %reduce_sum3A_32 [1] : vector<768x768xi32> to vector<768xi32>
    %broadcast_in_dim3A_34 = vector.shape_cast %reduce_sum3A_33 : vector<768xi32> to vector<768x1xi32>
    %broadcast_in_dim3A_35 = vector.shape_cast %broadcast_in_dim3A_34 : vector<768x1xi32> to vector<768x1xi32>
    %broadcast_in_dim3A_36 = vector.broadcast %broadcast_in_dim3A_35 : vector<768x1xi32> to vector<768x768xi32>
    %eq3A_37 = arith.cmpi eq, %broadcast_in_dim3A_36, %iota3A : vector<768x768xi32>
    %jit3A_38 = arith.constant 0 : i32
    %broadcast_in_dim3A_39 = vector.broadcast %jit3A_38 : i32 to vector<768x768xi32>
    %select_n3A_40 = arith.select %eq3A_37, %iota3A_2, %broadcast_in_dim3A_39 : vector<768x768xi1>, vector<768x768xi32>
    %reduce_sum3A_41 = arith.constant dense<0> : vector<768xi32>
    %reduce_sum3A_42 = vector.multi_reduction <add>, %select_n3A_40, %reduce_sum3A_41 [0] : vector<768x768xi32> to vector<768xi32>
    %broadcast_in_dim3A_43 = vector.shape_cast %reduce_sum3A_42 : vector<768xi32> to vector<1x768xi32>
    %add3A_44 = arith.constant 768 : i32
    %add3A_45 = vector.broadcast %add3A_44 : i32 to vector<1x768xi32>
    %add3A_46 = arith.addi %broadcast_in_dim3A_43, %add3A_45 : vector<1x768xi32>
    %swap3A_47 = arith.constant 1 : index
    %swap3A_48 = arith.constant 0 : index
    %swap3A_49 = vector.load %arg1[%swap3A_47, %swap3A_48] : memref<2x768xi32, #tpu.memory_space<vmem>>, vector<1x768xi32>
    tpu.vector_store %arg1[%swap3A_47, %swap3A_48], %add3A_46 {strides = array<i32>} : memref<2x768xi32, #tpu.memory_space<vmem>>, vector<1x768xi32>,
    return
  }
}

module attributes {stable_mosaic.version = 14 : i64} {
  func.func @_gather_kernel(%arg0: i32, %arg1: memref<1536xi32, #tpu.memory_space<smem>>, %arg2: memref<1536x224x224xf32, #tpu.memory_space<hbm>>, %arg3: memref<1536x224x224xf32, #tpu.memory_space<hbm>>, %arg4: memref<8x!tpu.dma_semaphore, #tpu.memory_space<semaphore_mem>>) attributes {dimension_semantics = [#tpu.dimension_semantics<arbitrary>], iteration_bounds = array<i64: 1536>, scalar_prefetch = 1 : i64, scratch_operands = 1 : i64, tpu.core_type = #tpu.core_type<tc>, window_params = [{}, {}]} {
    %get3A = arith.index_cast %arg0 : i32 to index
    %get3A_0 = memref.load %arg1[%get3A] : memref<1536xi32, #tpu.memory_space<smem>>
    %jit3A = arith.constant 8 : i32
    %eq3A = arith.constant 0 : i32
    %eq3A_1 = arith.cmpi eq, %jit3A, %eq3A : i32
    %jit3A_2 = arith.constant 1 : i32
    %select_n3A = arith.select %eq3A_1, %jit3A_2, %jit3A : i32
    %rem3A = arith.remsi %arg0, %select_n3A : i32
    %ne3A = arith.constant 0 : i32
    %ne3A_3 = arith.cmpi ne, %rem3A, %ne3A : i32
    %lt3A = arith.constant 0 : i32
    %lt3A_4 = arith.cmpi slt, %rem3A, %lt3A : i32
    %lt3A_5 = arith.constant 0 : i32
    %lt3A_6 = arith.cmpi slt, %select_n3A, %lt3A_5 : i32
    %ne3A_7 = arith.xori %lt3A_4, %lt3A_6 : i1
    %and3A = arith.andi %ne3A_7, %ne3A_3 : i1
    %add3A = arith.addi %rem3A, %select_n3A : i32
    %select_n3A_8 = arith.select %and3A, %add3A, %rem3A : i32
    %dma_start3A = tpu.memref_slice %arg4[%select_n3A_8] : memref<8x!tpu.dma_semaphore, #tpu.memory_space<semaphore_mem>> -> memref<1x!tpu.dma_semaphore, #tpu.memory_space<semaphore_mem>>
    %dma_start3A_9 = tpu.memref_squeeze %dma_start3A : memref<1x!tpu.dma_semaphore, #tpu.memory_space<semaphore_mem>> -> memref<!tpu.dma_semaphore, #tpu.memory_space<semaphore_mem>>
    %dma_start3A_10 = arith.constant 0 : i32
    %dma_start3A_11 = arith.constant 0 : i32
    %dma_start3A_12 = tpu.memref_slice %arg3[%arg0, %dma_start3A_10, %dma_start3A_11] : memref<1536x224x224xf32, #tpu.memory_space<hbm>> -> memref<1x224x224xf32, #tpu.memory_space<hbm>>
    %dma_start3A_13 = tpu.memref_squeeze %dma_start3A_12 : memref<1x224x224xf32, #tpu.memory_space<hbm>> -> memref<224x224xf32, #tpu.memory_space<hbm>>
    %dma_start3A_14 = arith.constant 0 : i32
    %dma_start3A_15 = arith.constant 0 : i32
    %dma_start3A_16 = tpu.memref_slice %arg2[%get3A_0, %dma_start3A_14, %dma_start3A_15] : memref<1536x224x224xf32, #tpu.memory_space<hbm>> -> memref<1x224x224xf32, #tpu.memory_space<hbm>>
    %dma_start3A_17 = tpu.memref_squeeze %dma_start3A_16 : memref<1x224x224xf32, #tpu.memory_space<hbm>> -> memref<224x224xf32, #tpu.memory_space<hbm>>
    tpu.enqueue_dma source(%dma_start3A_17 : memref<224x224xf32, #tpu.memory_space<hbm>>) target(%dma_start3A_13 : memref<224x224xf32, #tpu.memory_space<hbm>>) target_semaphore(%dma_start3A_9 : memref<!tpu.dma_semaphore, #tpu.memory_space<semaphore_mem>>)
    %ge3A = arith.constant 7 : i32
    %ge3A_18 = arith.cmpi sge, %arg0, %ge3A : i32
    %convert_element_type3A = arith.extui %ge3A_18 : i1 to i32
    %cond3A = arith.constant 0 : i32
    %cond3A_19 = arith.cmpi ne, %convert_element_type3A, %cond3A : i32
    scf.if %cond3A_19 {
      %add3A_25 = arith.constant 1 : i32
      %add3A_26 = arith.addi %arg0, %add3A_25 : i32
      %jit3A_27 = arith.constant 8 : i32
      %eq3A_28 = arith.constant 0 : i32
      %eq3A_29 = arith.cmpi eq, %jit3A_27, %eq3A_28 : i32
      %jit3A_30 = arith.constant 1 : i32
      %select_n3A_31 = arith.select %eq3A_29, %jit3A_30, %jit3A_27 : i32
      %rem3A_32 = arith.remsi %add3A_26, %select_n3A_31 : i32
      %ne3A_33 = arith.constant 0 : i32
      %ne3A_34 = arith.cmpi ne, %rem3A_32, %ne3A_33 : i32
      %lt3A_35 = arith.constant 0 : i32
      %lt3A_36 = arith.cmpi slt, %rem3A_32, %lt3A_35 : i32
      %lt3A_37 = arith.constant 0 : i32
      %lt3A_38 = arith.cmpi slt, %select_n3A_31, %lt3A_37 : i32
      %ne3A_39 = arith.xori %lt3A_36, %lt3A_38 : i1
      %and3A_40 = arith.andi %ne3A_39, %ne3A_34 : i1
      %add3A_41 = arith.addi %rem3A_32, %select_n3A_31 : i32
      %select_n3A_42 = arith.select %and3A_40, %add3A_41, %rem3A_32 : i32
      %dma_wait3A = arith.constant 0 : i32
      %dma_wait3A_43 = arith.constant 0 : i32
      %dma_wait3A_44 = tpu.memref_slice %arg4[%select_n3A_42] : memref<8x!tpu.dma_semaphore, #tpu.memory_space<semaphore_mem>> -> memref<1x!tpu.dma_semaphore, #tpu.memory_space<semaphore_mem>>
      %dma_wait3A_45 = tpu.memref_squeeze %dma_wait3A_44 : memref<1x!tpu.dma_semaphore, #tpu.memory_space<semaphore_mem>> -> memref<!tpu.dma_semaphore, #tpu.memory_space<semaphore_mem>>
      %dma_wait3A_46 = arith.constant 0 : i32
      %dma_wait3A_47 = arith.constant 0 : i32
      %dma_wait3A_48 = tpu.memref_slice %arg3[%dma_wait3A_43, %dma_wait3A_46, %dma_wait3A_47] : memref<1536x224x224xf32, #tpu.memory_space<hbm>> -> memref<1x224x224xf32, #tpu.memory_space<hbm>>
      %dma_wait3A_49 = tpu.memref_squeeze %dma_wait3A_48 : memref<1x224x224xf32, #tpu.memory_space<hbm>> -> memref<224x224xf32, #tpu.memory_space<hbm>>
      %dma_wait3A_50 = arith.constant 0 : i32
      %dma_wait3A_51 = arith.constant 0 : i32
      %dma_wait3A_52 = tpu.memref_slice %arg2[%dma_wait3A, %dma_wait3A_50, %dma_wait3A_51] : memref<1536x224x224xf32, #tpu.memory_space<hbm>> -> memref<1x224x224xf32, #tpu.memory_space<hbm>>
      %dma_wait3A_53 = tpu.memref_squeeze %dma_wait3A_52 : memref<1x224x224xf32, #tpu.memory_space<hbm>> -> memref<224x224xf32, #tpu.memory_space<hbm>>
      tpu.wait_dma2 semaphore(%dma_wait3A_45 : memref<!tpu.dma_semaphore, #tpu.memory_space<semaphore_mem>>) src(%dma_wait3A_53 : memref<224x224xf32, #tpu.memory_space<hbm>>) dst(%dma_wait3A_49 : memref<224x224xf32, #tpu.memory_space<hbm>>)
    } else {
    }
    %eq3A_20 = arith.constant 1535 : i32
    %eq3A_21 = arith.cmpi eq, %arg0, %eq3A_20 : i32
    %convert_element_type3A_22 = arith.extui %eq3A_21 : i1 to i32
    %cond3A_23 = arith.constant 0 : i32
    %cond3A_24 = arith.cmpi ne, %convert_element_type3A_22, %cond3A_23 : i32
    scf.if %cond3A_24 {
      %add3A_25 = arith.constant 2 : i32
      %add3A_26 = arith.addi %arg0, %add3A_25 : i32
      %add3A_27 = arith.constant 0 : i32
      %add3A_28 = arith.addi %add3A_26, %add3A_27 : i32
      %jit3A_29 = arith.constant 8 : i32
      %eq3A_30 = arith.constant 0 : i32
      %eq3A_31 = arith.cmpi eq, %jit3A_29, %eq3A_30 : i32
      %jit3A_32 = arith.constant 1 : i32
      %select_n3A_33 = arith.select %eq3A_31, %jit3A_32, %jit3A_29 : i32
      %rem3A_34 = arith.remsi %add3A_28, %select_n3A_33 : i32
      %ne3A_35 = arith.constant 0 : i32
      %ne3A_36 = arith.cmpi ne, %rem3A_34, %ne3A_35 : i32
      %lt3A_37 = arith.constant 0 : i32
      %lt3A_38 = arith.cmpi slt, %rem3A_34, %lt3A_37 : i32
      %lt3A_39 = arith.constant 0 : i32
      %lt3A_40 = arith.cmpi slt, %select_n3A_33, %lt3A_39 : i32
      %ne3A_41 = arith.xori %lt3A_38, %lt3A_40 : i1
      %and3A_42 = arith.andi %ne3A_41, %ne3A_36 : i1
      %add3A_43 = arith.addi %rem3A_34, %select_n3A_33 : i32
      %select_n3A_44 = arith.select %and3A_42, %add3A_43, %rem3A_34 : i32
      %dma_wait3A = arith.constant 0 : i32
      %dma_wait3A_45 = arith.constant 0 : i32
      %dma_wait3A_46 = tpu.memref_slice %arg4[%select_n3A_44] : memref<8x!tpu.dma_semaphore, #tpu.memory_space<semaphore_mem>> -> memref<1x!tpu.dma_semaphore, #tpu.memory_space<semaphore_mem>>
      %dma_wait3A_47 = tpu.memref_squeeze %dma_wait3A_46 : memref<1x!tpu.dma_semaphore, #tpu.memory_space<semaphore_mem>> -> memref<!tpu.dma_semaphore, #tpu.memory_space<semaphore_mem>>
      %dma_wait3A_48 = arith.constant 0 : i32
      %dma_wait3A_49 = arith.constant 0 : i32
      %dma_wait3A_50 = tpu.memref_slice %arg3[%dma_wait3A_45, %dma_wait3A_48, %dma_wait3A_49] : memref<1536x224x224xf32, #tpu.memory_space<hbm>> -> memref<1x224x224xf32, #tpu.memory_space<hbm>>
      %dma_wait3A_51 = tpu.memref_squeeze %dma_wait3A_50 : memref<1x224x224xf32, #tpu.memory_space<hbm>> -> memref<224x224xf32, #tpu.memory_space<hbm>>
      %dma_wait3A_52 = arith.constant 0 : i32
      %dma_wait3A_53 = arith.constant 0 : i32
      %dma_wait3A_54 = tpu.memref_slice %arg2[%dma_wait3A, %dma_wait3A_52, %dma_wait3A_53] : memref<1536x224x224xf32, #tpu.memory_space<hbm>> -> memref<1x224x224xf32, #tpu.memory_space<hbm>>
      %dma_wait3A_55 = tpu.memref_squeeze %dma_wait3A_54 : memref<1x224x224xf32, #tpu.memory_space<hbm>> -> memref<224x224xf32, #tpu.memory_space<hbm>>
      tpu.wait_dma2 semaphore(%dma_wait3A_47 : memref<!tpu.dma_semaphore, #tpu.memory_space<semaphore_mem>>) src(%dma_wait3A_55 : memref<224x224xf32, #tpu.memory_space<hbm>>) dst(%dma_wait3A_51 : memref<224x224xf32, #tpu.memory_space<hbm>>)
      %add3A_56 = arith.constant 2 : i32
      %add3A_57 = arith.addi %arg0, %add3A_56 : i32
      %add3A_58 = arith.constant 1 : i32
      %add3A_59 = arith.addi %add3A_57, %add3A_58 : i32
      %jit3A_60 = arith.constant 8 : i32
      %eq3A_61 = arith.constant 0 : i32
      %eq3A_62 = arith.cmpi eq, %jit3A_60, %eq3A_61 : i32
      %jit3A_63 = arith.constant 1 : i32
      %select_n3A_64 = arith.select %eq3A_62, %jit3A_63, %jit3A_60 : i32
      %rem3A_65 = arith.remsi %add3A_59, %select_n3A_64 : i32
      %ne3A_66 = arith.constant 0 : i32
      %ne3A_67 = arith.cmpi ne, %rem3A_65, %ne3A_66 : i32
      %lt3A_68 = arith.constant 0 : i32
      %lt3A_69 = arith.cmpi slt, %rem3A_65, %lt3A_68 : i32
      %lt3A_70 = arith.constant 0 : i32
      %lt3A_71 = arith.cmpi slt, %select_n3A_64, %lt3A_70 : i32
      %ne3A_72 = arith.xori %lt3A_69, %lt3A_71 : i1
      %and3A_73 = arith.andi %ne3A_72, %ne3A_67 : i1
      %add3A_74 = arith.addi %rem3A_65, %select_n3A_64 : i32
      %select_n3A_75 = arith.select %and3A_73, %add3A_74, %rem3A_65 : i32
      %dma_wait3A_76 = arith.constant 0 : i32
      %dma_wait3A_77 = arith.constant 0 : i32
      %dma_wait3A_78 = tpu.memref_slice %arg4[%select_n3A_75] : memref<8x!tpu.dma_semaphore, #tpu.memory_space<semaphore_mem>> -> memref<1x!tpu.dma_semaphore, #tpu.memory_space<semaphore_mem>>
      %dma_wait3A_79 = tpu.memref_squeeze %dma_wait3A_78 : memref<1x!tpu.dma_semaphore, #tpu.memory_space<semaphore_mem>> -> memref<!tpu.dma_semaphore, #tpu.memory_space<semaphore_mem>>
      %dma_wait3A_80 = arith.constant 0 : i32
      %dma_wait3A_81 = arith.constant 0 : i32
      %dma_wait3A_82 = tpu.memref_slice %arg3[%dma_wait3A_77, %dma_wait3A_80, %dma_wait3A_81] : memref<1536x224x224xf32, #tpu.memory_space<hbm>> -> memref<1x224x224xf32, #tpu.memory_space<hbm>>
      %dma_wait3A_83 = tpu.memref_squeeze %dma_wait3A_82 : memref<1x224x224xf32, #tpu.memory_space<hbm>> -> memref<224x224xf32, #tpu.memory_space<hbm>>
      %dma_wait3A_84 = arith.constant 0 : i32
      %dma_wait3A_85 = arith.constant 0 : i32
      %dma_wait3A_86 = tpu.memref_slice %arg2[%dma_wait3A_76, %dma_wait3A_84, %dma_wait3A_85] : memref<1536x224x224xf32, #tpu.memory_space<hbm>> -> memref<1x224x224xf32, #tpu.memory_space<hbm>>
      %dma_wait3A_87 = tpu.memref_squeeze %dma_wait3A_86 : memref<1x224x224xf32, #tpu.memory_space<hbm>> -> memref<224x224xf32, #tpu.memory_space<hbm>>
      tpu.wait_dma2 semaphore(%dma_wait3A_79 : memref<!tpu.dma_semaphore, #tpu.memory_space<semaphore_mem>>) src(%dma_wait3A_87 : memref<224x224xf32, #tpu.memory_space<hbm>>) dst(%dma_wait3A_83 : memref<224x224xf32, #tpu.memory_space<hbm>>)
      %add3A_88 = arith.constant 2 : i32
      %add3A_89 = arith.addi %arg0, %add3A_88 : i32
      %add3A_90 = arith.constant 2 : i32
      %add3A_91 = arith.addi %add3A_89, %add3A_90 : i32
      %jit3A_92 = arith.constant 8 : i32
      %eq3A_93 = arith.constant 0 : i32
      %eq3A_94 = arith.cmpi eq, %jit3A_92, %eq3A_93 : i32
      %jit3A_95 = arith.constant 1 : i32
      %select_n3A_96 = arith.select %eq3A_94, %jit3A_95, %jit3A_92 : i32
      %rem3A_97 = arith.remsi %add3A_91, %select_n3A_96 : i32
      %ne3A_98 = arith.constant 0 : i32
      %ne3A_99 = arith.cmpi ne, %rem3A_97, %ne3A_98 : i32
      %lt3A_100 = arith.constant 0 : i32
      %lt3A_101 = arith.cmpi slt, %rem3A_97, %lt3A_100 : i32
      %lt3A_102 = arith.constant 0 : i32
      %lt3A_103 = arith.cmpi slt, %select_n3A_96, %lt3A_102 : i32
      %ne3A_104 = arith.xori %lt3A_101, %lt3A_103 : i1
      %and3A_105 = arith.andi %ne3A_104, %ne3A_99 : i1
      %add3A_106 = arith.addi %rem3A_97, %select_n3A_96 : i32
      %select_n3A_107 = arith.select %and3A_105, %add3A_106, %rem3A_97 : i32
      %dma_wait3A_108 = arith.constant 0 : i32
      %dma_wait3A_109 = arith.constant 0 : i32
      %dma_wait3A_110 = tpu.memref_slice %arg4[%select_n3A_107] : memref<8x!tpu.dma_semaphore, #tpu.memory_space<semaphore_mem>> -> memref<1x!tpu.dma_semaphore, #tpu.memory_space<semaphore_mem>>
      %dma_wait3A_111 = tpu.memref_squeeze %dma_wait3A_110 : memref<1x!tpu.dma_semaphore, #tpu.memory_space<semaphore_mem>> -> memref<!tpu.dma_semaphore, #tpu.memory_space<semaphore_mem>>
      %dma_wait3A_112 = arith.constant 0 : i32
      %dma_wait3A_113 = arith.constant 0 : i32
      %dma_wait3A_114 = tpu.memref_slice %arg3[%dma_wait3A_109, %dma_wait3A_112, %dma_wait3A_113] : memref<1536x224x224xf32, #tpu.memory_space<hbm>> -> memref<1x224x224xf32, #tpu.memory_space<hbm>>
      %dma_wait3A_115 = tpu.memref_squeeze %dma_wait3A_114 : memref<1x224x224xf32, #tpu.memory_space<hbm>> -> memref<224x224xf32, #tpu.memory_space<hbm>>
      %dma_wait3A_116 = arith.constant 0 : i32
      %dma_wait3A_117 = arith.constant 0 : i32
      %dma_wait3A_118 = tpu.memref_slice %arg2[%dma_wait3A_108, %dma_wait3A_116, %dma_wait3A_117] : memref<1536x224x224xf32, #tpu.memory_space<hbm>> -> memref<1x224x224xf32, #tpu.memory_space<hbm>>
      %dma_wait3A_119 = tpu.memref_squeeze %dma_wait3A_118 : memref<1x224x224xf32, #tpu.memory_space<hbm>> -> memref<224x224xf32, #tpu.memory_space<hbm>>
      tpu.wait_dma2 semaphore(%dma_wait3A_111 : memref<!tpu.dma_semaphore, #tpu.memory_space<semaphore_mem>>) src(%dma_wait3A_119 : memref<224x224xf32, #tpu.memory_space<hbm>>) dst(%dma_wait3A_115 : memref<224x224xf32, #tpu.memory_space<hbm>>)
      %add3A_120 = arith.constant 2 : i32
      %add3A_121 = arith.addi %arg0, %add3A_120 : i32
      %add3A_122 = arith.constant 3 : i32
      %add3A_123 = arith.addi %add3A_121, %add3A_122 : i32
      %jit3A_124 = arith.constant 8 : i32
      %eq3A_125 = arith.constant 0 : i32
      %eq3A_126 = arith.cmpi eq, %jit3A_124, %eq3A_125 : i32
      %jit3A_127 = arith.constant 1 : i32
      %select_n3A_128 = arith.select %eq3A_126, %jit3A_127, %jit3A_124 : i32
      %rem3A_129 = arith.remsi %add3A_123, %select_n3A_128 : i32
      %ne3A_130 = arith.constant 0 : i32
      %ne3A_131 = arith.cmpi ne, %rem3A_129, %ne3A_130 : i32
      %lt3A_132 = arith.constant 0 : i32
      %lt3A_133 = arith.cmpi slt, %rem3A_129, %lt3A_132 : i32
      %lt3A_134 = arith.constant 0 : i32
      %lt3A_135 = arith.cmpi slt, %select_n3A_128, %lt3A_134 : i32
      %ne3A_136 = arith.xori %lt3A_133, %lt3A_135 : i1
      %and3A_137 = arith.andi %ne3A_136, %ne3A_131 : i1
      %add3A_138 = arith.addi %rem3A_129, %select_n3A_128 : i32
      %select_n3A_139 = arith.select %and3A_137, %add3A_138, %rem3A_129 : i32
      %dma_wait3A_140 = arith.constant 0 : i32
      %dma_wait3A_141 = arith.constant 0 : i32
      %dma_wait3A_142 = tpu.memref_slice %arg4[%select_n3A_139] : memref<8x!tpu.dma_semaphore, #tpu.memory_space<semaphore_mem>> -> memref<1x!tpu.dma_semaphore, #tpu.memory_space<semaphore_mem>>
      %dma_wait3A_143 = tpu.memref_squeeze %dma_wait3A_142 : memref<1x!tpu.dma_semaphore, #tpu.memory_space<semaphore_mem>> -> memref<!tpu.dma_semaphore, #tpu.memory_space<semaphore_mem>>
      %dma_wait3A_144 = arith.constant 0 : i32
      %dma_wait3A_145 = arith.constant 0 : i32
      %dma_wait3A_146 = tpu.memref_slice %arg3[%dma_wait3A_141, %dma_wait3A_144, %dma_wait3A_145] : memref<1536x224x224xf32, #tpu.memory_space<hbm>> -> memref<1x224x224xf32, #tpu.memory_space<hbm>>
      %dma_wait3A_147 = tpu.memref_squeeze %dma_wait3A_146 : memref<1x224x224xf32, #tpu.memory_space<hbm>> -> memref<224x224xf32, #tpu.memory_space<hbm>>
      %dma_wait3A_148 = arith.constant 0 : i32
      %dma_wait3A_149 = arith.constant 0 : i32
      %dma_wait3A_150 = tpu.memref_slice %arg2[%dma_wait3A_140, %dma_wait3A_148, %dma_wait3A_149] : memref<1536x224x224xf32, #tpu.memory_space<hbm>> -> memref<1x224x224xf32, #tpu.memory_space<hbm>>
      %dma_wait3A_151 = tpu.memref_squeeze %dma_wait3A_150 : memref<1x224x224xf32, #tpu.memory_space<hbm>> -> memref<224x224xf32, #tpu.memory_space<hbm>>
      tpu.wait_dma2 semaphore(%dma_wait3A_143 : memref<!tpu.dma_semaphore, #tpu.memory_space<semaphore_mem>>) src(%dma_wait3A_151 : memref<224x224xf32, #tpu.memory_space<hbm>>) dst(%dma_wait3A_147 : memref<224x224xf32, #tpu.memory_space<hbm>>)
      %add3A_152 = arith.constant 2 : i32
      %add3A_153 = arith.addi %arg0, %add3A_152 : i32
      %add3A_154 = arith.constant 4 : i32
      %add3A_155 = arith.addi %add3A_153, %add3A_154 : i32
      %jit3A_156 = arith.constant 8 : i32
      %eq3A_157 = arith.constant 0 : i32
      %eq3A_158 = arith.cmpi eq, %jit3A_156, %eq3A_157 : i32
      %jit3A_159 = arith.constant 1 : i32
      %select_n3A_160 = arith.select %eq3A_158, %jit3A_159, %jit3A_156 : i32
      %rem3A_161 = arith.remsi %add3A_155, %select_n3A_160 : i32
      %ne3A_162 = arith.constant 0 : i32
      %ne3A_163 = arith.cmpi ne, %rem3A_161, %ne3A_162 : i32
      %lt3A_164 = arith.constant 0 : i32
      %lt3A_165 = arith.cmpi slt, %rem3A_161, %lt3A_164 : i32
      %lt3A_166 = arith.constant 0 : i32
      %lt3A_167 = arith.cmpi slt, %select_n3A_160, %lt3A_166 : i32
      %ne3A_168 = arith.xori %lt3A_165, %lt3A_167 : i1
      %and3A_169 = arith.andi %ne3A_168, %ne3A_163 : i1
      %add3A_170 = arith.addi %rem3A_161, %select_n3A_160 : i32
      %select_n3A_171 = arith.select %and3A_169, %add3A_170, %rem3A_161 : i32
      %dma_wait3A_172 = arith.constant 0 : i32
      %dma_wait3A_173 = arith.constant 0 : i32
      %dma_wait3A_174 = tpu.memref_slice %arg4[%select_n3A_171] : memref<8x!tpu.dma_semaphore, #tpu.memory_space<semaphore_mem>> -> memref<1x!tpu.dma_semaphore, #tpu.memory_space<semaphore_mem>>
      %dma_wait3A_175 = tpu.memref_squeeze %dma_wait3A_174 : memref<1x!tpu.dma_semaphore, #tpu.memory_space<semaphore_mem>> -> memref<!tpu.dma_semaphore, #tpu.memory_space<semaphore_mem>>
      %dma_wait3A_176 = arith.constant 0 : i32
      %dma_wait3A_177 = arith.constant 0 : i32
      %dma_wait3A_178 = tpu.memref_slice %arg3[%dma_wait3A_173, %dma_wait3A_176, %dma_wait3A_177] : memref<1536x224x224xf32, #tpu.memory_space<hbm>> -> memref<1x224x224xf32, #tpu.memory_space<hbm>>
      %dma_wait3A_179 = tpu.memref_squeeze %dma_wait3A_178 : memref<1x224x224xf32, #tpu.memory_space<hbm>> -> memref<224x224xf32, #tpu.memory_space<hbm>>
      %dma_wait3A_180 = arith.constant 0 : i32
      %dma_wait3A_181 = arith.constant 0 : i32
      %dma_wait3A_182 = tpu.memref_slice %arg2[%dma_wait3A_172, %dma_wait3A_180, %dma_wait3A_181] : memref<1536x224x224xf32, #tpu.memory_space<hbm>> -> memref<1x224x224xf32, #tpu.memory_space<hbm>>
      %dma_wait3A_183 = tpu.memref_squeeze %dma_wait3A_182 : memref<1x224x224xf32, #tpu.memory_space<hbm>> -> memref<224x224xf32, #tpu.memory_space<hbm>>
      tpu.wait_dma2 semaphore(%dma_wait3A_175 : memref<!tpu.dma_semaphore, #tpu.memory_space<semaphore_mem>>) src(%dma_wait3A_183 : memref<224x224xf32, #tpu.memory_space<hbm>>) dst(%dma_wait3A_179 : memref<224x224xf32, #tpu.memory_space<hbm>>)
      %add3A_184 = arith.constant 2 : i32
      %add3A_185 = arith.addi %arg0, %add3A_184 : i32
      %add3A_186 = arith.constant 5 : i32
      %add3A_187 = arith.addi %add3A_185, %add3A_186 : i32
      %jit3A_188 = arith.constant 8 : i32
      %eq3A_189 = arith.constant 0 : i32
      %eq3A_190 = arith.cmpi eq, %jit3A_188, %eq3A_189 : i32
      %jit3A_191 = arith.constant 1 : i32
      %select_n3A_192 = arith.select %eq3A_190, %jit3A_191, %jit3A_188 : i32
      %rem3A_193 = arith.remsi %add3A_187, %select_n3A_192 : i32
      %ne3A_194 = arith.constant 0 : i32
      %ne3A_195 = arith.cmpi ne, %rem3A_193, %ne3A_194 : i32
      %lt3A_196 = arith.constant 0 : i32
      %lt3A_197 = arith.cmpi slt, %rem3A_193, %lt3A_196 : i32
      %lt3A_198 = arith.constant 0 : i32
      %lt3A_199 = arith.cmpi slt, %select_n3A_192, %lt3A_198 : i32
      %ne3A_200 = arith.xori %lt3A_197, %lt3A_199 : i1
      %and3A_201 = arith.andi %ne3A_200, %ne3A_195 : i1
      %add3A_202 = arith.addi %rem3A_193, %select_n3A_192 : i32
      %select_n3A_203 = arith.select %and3A_201, %add3A_202, %rem3A_193 : i32
      %dma_wait3A_204 = arith.constant 0 : i32
      %dma_wait3A_205 = arith.constant 0 : i32
      %dma_wait3A_206 = tpu.memref_slice %arg4[%select_n3A_203] : memref<8x!tpu.dma_semaphore, #tpu.memory_space<semaphore_mem>> -> memref<1x!tpu.dma_semaphore, #tpu.memory_space<semaphore_mem>>
      %dma_wait3A_207 = tpu.memref_squeeze %dma_wait3A_206 : memref<1x!tpu.dma_semaphore, #tpu.memory_space<semaphore_mem>> -> memref<!tpu.dma_semaphore, #tpu.memory_space<semaphore_mem>>
      %dma_wait3A_208 = arith.constant 0 : i32
      %dma_wait3A_209 = arith.constant 0 : i32
      %dma_wait3A_210 = tpu.memref_slice %arg3[%dma_wait3A_205, %dma_wait3A_208, %dma_wait3A_209] : memref<1536x224x224xf32, #tpu.memory_space<hbm>> -> memref<1x224x224xf32, #tpu.memory_space<hbm>>
      %dma_wait3A_211 = tpu.memref_squeeze %dma_wait3A_210 : memref<1x224x224xf32, #tpu.memory_space<hbm>> -> memref<224x224xf32, #tpu.memory_space<hbm>>
      %dma_wait3A_212 = arith.constant 0 : i32
      %dma_wait3A_213 = arith.constant 0 : i32
      %dma_wait3A_214 = tpu.memref_slice %arg2[%dma_wait3A_204, %dma_wait3A_212, %dma_wait3A_213] : memref<1536x224x224xf32, #tpu.memory_space<hbm>> -> memref<1x224x224xf32, #tpu.memory_space<hbm>>
      %dma_wait3A_215 = tpu.memref_squeeze %dma_wait3A_214 : memref<1x224x224xf32, #tpu.memory_space<hbm>> -> memref<224x224xf32, #tpu.memory_space<hbm>>
      tpu.wait_dma2 semaphore(%dma_wait3A_207 : memref<!tpu.dma_semaphore, #tpu.memory_space<semaphore_mem>>) src(%dma_wait3A_215 : memref<224x224xf32, #tpu.memory_space<hbm>>) dst(%dma_wait3A_211 : memref<224x224xf32, #tpu.memory_space<hbm>>)
      %add3A_216 = arith.constant 2 : i32
      %add3A_217 = arith.addi %arg0, %add3A_216 : i32
      %add3A_218 = arith.constant 6 : i32
      %add3A_219 = arith.addi %add3A_217, %add3A_218 : i32
      %jit3A_220 = arith.constant 8 : i32
      %eq3A_221 = arith.constant 0 : i32
      %eq3A_222 = arith.cmpi eq, %jit3A_220, %eq3A_221 : i32
      %jit3A_223 = arith.constant 1 : i32
      %select_n3A_224 = arith.select %eq3A_222, %jit3A_223, %jit3A_220 : i32
      %rem3A_225 = arith.remsi %add3A_219, %select_n3A_224 : i32
      %ne3A_226 = arith.constant 0 : i32
      %ne3A_227 = arith.cmpi ne, %rem3A_225, %ne3A_226 : i32
      %lt3A_228 = arith.constant 0 : i32
      %lt3A_229 = arith.cmpi slt, %rem3A_225, %lt3A_228 : i32
      %lt3A_230 = arith.constant 0 : i32
      %lt3A_231 = arith.cmpi slt, %select_n3A_224, %lt3A_230 : i32
      %ne3A_232 = arith.xori %lt3A_229, %lt3A_231 : i1
      %and3A_233 = arith.andi %ne3A_232, %ne3A_227 : i1
      %add3A_234 = arith.addi %rem3A_225, %select_n3A_224 : i32
      %select_n3A_235 = arith.select %and3A_233, %add3A_234, %rem3A_225 : i32
      %dma_wait3A_236 = arith.constant 0 : i32
      %dma_wait3A_237 = arith.constant 0 : i32
      %dma_wait3A_238 = tpu.memref_slice %arg4[%select_n3A_235] : memref<8x!tpu.dma_semaphore, #tpu.memory_space<semaphore_mem>> -> memref<1x!tpu.dma_semaphore, #tpu.memory_space<semaphore_mem>>
      %dma_wait3A_239 = tpu.memref_squeeze %dma_wait3A_238 : memref<1x!tpu.dma_semaphore, #tpu.memory_space<semaphore_mem>> -> memref<!tpu.dma_semaphore, #tpu.memory_space<semaphore_mem>>
      %dma_wait3A_240 = arith.constant 0 : i32
      %dma_wait3A_241 = arith.constant 0 : i32
      %dma_wait3A_242 = tpu.memref_slice %arg3[%dma_wait3A_237, %dma_wait3A_240, %dma_wait3A_241] : memref<1536x224x224xf32, #tpu.memory_space<hbm>> -> memref<1x224x224xf32, #tpu.memory_space<hbm>>
      %dma_wait3A_243 = tpu.memref_squeeze %dma_wait3A_242 : memref<1x224x224xf32, #tpu.memory_space<hbm>> -> memref<224x224xf32, #tpu.memory_space<hbm>>
      %dma_wait3A_244 = arith.constant 0 : i32
      %dma_wait3A_245 = arith.constant 0 : i32
      %dma_wait3A_246 = tpu.memref_slice %arg2[%dma_wait3A_236, %dma_wait3A_244, %dma_wait3A_245] : memref<1536x224x224xf32, #tpu.memory_space<hbm>> -> memref<1x224x224xf32, #tpu.memory_space<hbm>>
      %dma_wait3A_247 = tpu.memref_squeeze %dma_wait3A_246 : memref<1x224x224xf32, #tpu.memory_space<hbm>> -> memref<224x224xf32, #tpu.memory_space<hbm>>
      tpu.wait_dma2 semaphore(%dma_wait3A_239 : memref<!tpu.dma_semaphore, #tpu.memory_space<semaphore_mem>>) src(%dma_wait3A_247 : memref<224x224xf32, #tpu.memory_space<hbm>>) dst(%dma_wait3A_243 : memref<224x224xf32, #tpu.memory_space<hbm>>)
    } else {
    }
    return
  }
}

</mosaic_0001>

<sc_bundles>
// kernel: sparse-core-data-format-call.cloned.1.call-start
scs
called_computation_lowered:
.L_overlay_start_0:
0x0: {  	s2 =	sld [smem:$0x3FD9]  }
0x1: {  	s3 =	sld [smem:$0x3FFE];
	_ =	sdelay $0x1  }
0x2: {  	s1 =	srdreg.scid  }
0x3: {  	s0 =	sand.u32 $0x1, s1  }
0x4: {  	s18 =	sshll.u32 s0, $0xA;
	s2 =	sadd.s32 s3, s2  }
0x5: {  	s2 =	sadd.s32 s2, s18  }
0x6: {  	[smem:$0x3FC6] =	sst s2  }
0x7: {  	_ = 	snop  }
0x8: {  	s2 =	sld [smem:$0x3FD0];
	(tm) =	ssettm $0x1  }
0x9: {  	s19 =	sld [smem:$0x3FFB];
	_ =	sdelay $0x3  }
0xa: {  	_ =	strace s19  }
0xb: {  	s3 =	sld [smem:$0x3FFC];
	_ =	sdelay $0x3  }
0xc: {  	_ =	strace s3  }
0xd: {  	s3 =	sld [smem:$0x3FFD];
	_ =	sdelay $0x3  }
0xe: {  	_ =	strace s3  }
0xf: {  	_ =	strace $0x8FFFFFFF  }
0x10: {  	s20 =	sld [smem:$0x3FDB];
	_ =	sdelay $0x1  }
0x11: {  	s4 =	simm.s32 $_scs_section_size  }
0x12: {  	s5 =	simm.s32 $_size__tile_overlayer_lowered;
	s6 =	simm.s32 $_tile_overlayer_lowered  }
0x13: {  	s23 =	simm.s32 $0x1BFF;
	s22 =	sshll.u32 s6, $0x1;
	s3 =	sadd.s32 s4, s20  }
0x14: {  	s7 =	simm.s32 $0x0;
	s21 =	sshll.u32 s5, $0x1;
	s5 =	sadd.s32 s22, s3  }
0x15: {  	[timem:s7], [sflag:s23] =	dma.local [hbm:s5], s21  }
0x16: {  	_ =	swait.ge [sflag:s23], s21  }
0x17: {  	s4 =	ssub.s32 $0x0, s21;
	[sflag:s23] =	ssyncset.done $0x0  }
0x18: {  	[sflag:s23] =	ssyncadd.s32 s4;
	_ =	sdelay $0x1  }
0x19: {  	s24 =	simm.s32 $0x1B8B  }
0x1a: {  	_ =	swait.ge [sflag:s24], $0x1  }
0x1b: {  	[sflag:s24] =	ssyncset.done $0x0  }
0x1c: {  	s26 =	simm.s32 $0x1B8E;
	s25 =	sld [smem:$0x3FFE];
	[sflag:s24] =	ssyncadd.s32 $0xFFFFFFFF  }
0x1d: {  	s27 =	simm.s32 $execute0_lowered;
	[smem:$0x3FD2] =	sst s26  }
0x1e: {  	s5 =	sshll.u32 s27, $0x1;
	_ =	strace $0x80000046;
	[dreg:$0x1] =	wrdreg $0xFFFFFFFF  }
0x1f: {  	s28 =	simm.s32 $_size_execute0_lowered;
	s3 =	sadd.s32 s3, s5;
	[dreg:$0x0] =	wrdreg $0x0  }
0x20: {  	s5 =	sshll.u32 s28, $0x1;
	[dreg:$0x2] =	wrdreg s3  }
0x21: {  	[dreg:$0x3] =	wrdreg s5  }
0x22: {  	[dreg:$0x4] =	wrdreg $0xC0  }
0x23: {  	_ =	task [dreg:s7], $0x5FFFF  }
0x24: {  	[dreg:$0x1] =	wrdreg $0xFFFFFFFF  }
0x25: {  	[dreg:$0x0] =	wrdreg $0x60  }
0x26: {  	[dreg:$0x2] =	wrdreg s25  }
0x27: {  	[dreg:$0x3] =	wrdreg s2  }
0x28: {  	[dreg:$0x4] =	wrdreg $0x9  }
0x29: {  	_ =	task.clear_ibuf [dreg:s7], $0x5FFFF;
	_ =	strace $0x90000046  }
0x2a: {  	s29 =	simm.s32 $0x9;
	_ =	strace $0x80000048  }
0x2b: {  	_ =	swait.ge [sflag:s29], $0x1  }
0x2c: {  	[sflag:s29] =	ssyncadd.s32 $0xFFFFFFFF  }
0x2d: {  	_ =	strace $0x90000048  }
0x2e: {  	_ =	sfence  }
0x2f: {  	s30 =	sld [smem:$0x0];
	_ =	sdelay $0x2  }
0x30: {  	s31 =	sshll.u32 s1, $0xD;
	s1 =	sshrl.u32 s1, $0x2  }
0x31: {  	s3 =	sand.u32 $0x4000, s31;
	s1 =	sadd.s32 s1, s30  }
0x32: {  	s0 =	sor.u32 s3, s0;
	s1 =	sshll.u32 s1, $0x11  }
0x33: {  	s0 =	sor.u32 s1, s0  }
0x34: {  	s0 =	sadd.s32 $0x8F2B, s0  }
0x35: {  	[sflag:s0] =	ssyncadd.remote.s32 $0x1  }
0x36: {  	_ =	sfence.sel $0xFFFF  }
0x37: {  	[dreg:$0x0] =	wrdreg $0xFFFFFFFF;
	(pc) =	sbr.abs _section_cstart, $3  }
0x38: {  	[dreg:$0x1] =	wrdreg $0xFFFFFFFF  }
0x39: {  	_ =	task.clear_ibuf [dreg:s7], $0x2FFFF;
	_ =	strace $0x9FFFFFFF  }
0x3a: {  	(tm) =	ssettm $0x7FFFFFFF  }
0x3b: {  	_ =	shalt  }
tec
execute0_lowered:
.L_overlay_start_1:
0x0: {  	(tag) =	ssettag $0x1  }
0x1: {  	s4 =	rddreg [dreg:$0x0];
	s0 =	stileid.u32;
	_ =	strace $0x80000047  }
0x2: {  	s5 =	srdreg.scid;
	s8 =	simm.s32 $0x2;
	s19 =	simm.s32 $0x0  }
0x3: {  	p0 =	por $0x0, $0x0;
	s9 =	simm.s32 $0x1800;
	s21 =	simm.s32 $0x0  }
0x4: {  	s20 =	simm.s32 $0x0;
	s22 =	simm.s32 $0x0;
	s10 =	simm.s32 $0x0  }
0x5: {  	s11 =	simm.s32 $0x0;
	s12 =	simm.s32 $0x0;
	s2 =	simm.s32 $0x0  }
0x6: {  	s14 =	simm.s32 $0x0;
	s16 =	simm.s32 $0x0;
	s3 =	sand.u32 $0x1, s0  }
0x7: {  	s18 =	simm.s32 $0x0;
	s5 =	sshll.u32 s5, $0x4;
	s6 =	ssub.s32 $0x2, s3  }
.Ltmp0:
0x8: {  	s7 =	sshrl.u32 s6, $0x1;
	s6 =	sand.u32 $0x1, s6;
	(pc) =	sbr.rel .LBB1_1-.Ltmp0, $4  }
0x9: {  	s4 =	sadd.s32 $0xA80600, s4;
	s5 =	sand.u32 $0x10, s5;
	s6 =	sadd.s32 s6, s7  }
0xa: {  	s31 =	sor.u32 s0, s5;
	s5 =	simm.s32 $0x1;
	s6 =	smul.u32 $0xA8, s6  }
0xb: {  	s17 =	smov.u32 s3;
	s7 =	sshrl.u32 s31, $0x1;
	[sflag:s5] =	ssyncpa.u1 $0x0  }
0xc: {  	[sflag:s8] =	ssyncpa.u1 $0x0;
	s15 =	smov.u32 s7;
	s8 =	sor.u32 $0x1, s6  }
.LBB1_4:
0xd: {  	s28 =	sshrl.u32 s10, $0x3;
	s29 =	sshll.u32 s12, $0x3;
	[tilespmem:s26+$0x2040 ss:$0x81] =	vst.msk $0xffff, v4  }
0xe: {  	s30 =	sshll.u32 s10, $0x7;
	p1 =	sgt.s32 s2, $0x1;
	p2 =	sgt.s32 s11, $0xDF;
	[tilespmem:s26+$0x2850 ss:$0x81] =	vst.msk $0xffff, v3  }
0xf: {  	s31 =	sshra.s32 s11, $0x1F;
	s0 =	sshra.s32 s2, $0x1F;
	s1 =	sshra.s32 s12, $0x1F;
	[tilespmem:s26+$0x3060 ss:$0x81] =	vst.msk $0xffff, v2  }
0x10: {  	s27 =	sshra.s32 s27, $0x2;
	[tilespmem:s26+$0x0 ss:$0x81] =	vst.msk $0xffff, v1;
	s26 =	smov.u32 s10;
	s28 =	smul.u32 $0x1800, s28  }
0x11: {  	s29 =	sand.u32 $0xFFFFFC00, s29;
	s13 =	sand.u32 $0x380, s30;
	s30 =	sand.u32 $0x7F, s12  }
0x12: {  	s31 =	sand.u32 s31, s11;
	s0 =	sand.u32 s0, s2;
	s1 =	sand.u32 s1, s12  }
0x13: {  	s25 =	sadd.s32 s27, s25;
	s28 =	sadd.s32 s29, s28;
	s29 =	smov.u32 s11  }
0x14: {  	s28 =	sor.u32 s13, s28;
	s29 =	simm.s32 @!p2 $0xDF;
	p2 =	sgt.s32 s12, $0x280  }
0x15: {  	s13 =	smov.u32 s2;
	s29 =	ssub.s32 s29, s31;
	s31 =	smov.u32 s12  }
0x16: {  	s0 =	sxor.u32 $0xFFFFFFFF, s0;
	s13 =	simm.s32 @!p1 $0x1;
	s31 =	simm.s32 @!p2 $0x280  }
0x17: {  	s0 =	sadd.s32 s0, s13;
	s13 =	sadd.s32 $0xFFFFFF21, s29;
	s29 =	ssub.s32 $0xE0, s29  }
0x18: {  	s1 =	ssub.s32 s31, s1;
	p2 =	sgt.s32 s13, $0x0;
	s13 =	sor.u32 s30, s28  }
0x19: {  	p3 =	sgt.s32 s0, $0x0;
	s0 =	ssub.s32 $0x1, s0;
	s28 =	smulhi.u32 $0xAAAAAAAB, s28  }
0x1a: {  	s31 =	sadd.s32 $0xFFFFFD80, s1;
	s30 =	smulhi.u32 $0xAAAAAAAB, s13;
	s0 =	simm.s32 @p3 $0x0  }
0x1b: {  	v5 =	vld [tilespmem:s24+$0xFFFFFFD0];
	s29 =	simm.s32 @p2 $0x0;
	s1 =	ssub.s32 $0x300, s1;
	s28 =	sshrl.u32 s28, $0x9  }
0x1c: {  	v58 =	vld [tilespmem:s24+$0xFFFFFFE0];
	p1 =	sgt.s32 s31, $0x7F;
	s30 =	sshrl.u32 s30, $0x9;
	s27 =	smulhi.u32 $0x124924A, s28  }
0x1d: {  	v59 =	vld [tilespmem:s24+$0xFFFFFFF0];
	s1 =	simm.s32 @p1 $0x0;
	p1 =	sgt.s32 s10, $0x60;
	s30 =	smul.u32 $0x300, s30  }
0x1e: {  	v60 =	vld [tilespmem:s24+$0x0];
	s31 =	sshra.s32 s10, $0x1F;
	s0 =	smul.u32 s0, s1;
	s26 =	simm.s32 @!p1 $0x60  }
0x1f: {  	v61 =	vld [tilespmem:s24+$0x10];
	[tilespmem:s25+$0x3870 ss:$0x81] =	vst.msk $0xffff, v0;
	s1 =	sand.u32 s31, s10;
	s31 =	rddreg [dreg:$0x1];
	s27 =	smul.u32 $0xE0, s27  }
0x20: {  	v62 =	vld [tilespmem:s24+$0x20];
	[tilespmem:s25+$0x810 ss:$0x81] =	vst.msk $0xffff, v5;
	s1 =	ssub.s32 s26, s1;
	s13 =	ssub.s32 s13, s30;
	s0 =	smul.u32 s29, s0  }
0x21: {  	v63 =	vld [tilespmem:s24+$0xFFFFFFC0];
	[tilespmem:s25+$0x1020 ss:$0x81] =	vst.msk $0xffff, v58;
	s26 =	sadd.s32 $0xFFFFFFA0, s1;
	s29 =	smul.u32 $0x498000, s2;
	s1 =	ssub.s32 $0xE0, s1  }
0x22: {  	[tilespmem:s25+$0x1830 ss:$0x81] =	vst.msk $0xffff, v59;
	s30 =	smul.u32 $0x5400, s11;
	s28 =	ssub.s32 s28, s27;
	p1 =	sgt.s32 s26, $0x7F  }
0x23: {  	[tilespmem:s25+$0x2040 ss:$0x81] =	vst.msk $0xffff, v60;
	s1 =	simm.s32 @p1 $0x0;
	s24 =	smul.u32 $0x60, s28;
	s27 =	sadd.s32 s31, s29  }
0x24: {  	[tilespmem:s25+$0x2850 ss:$0x81] =	vst.msk $0xffff, v61;
	s29 =	sand.u32 $0x7, s13;
	s0 =	smul.u32 s1, s0;
	s28 =	sadd.s32 s30, s27  }
0x25: {  	[tilespmem:s25+$0x3060 ss:$0x81] =	vst.msk $0xffff, v62;
	s13 =	sshrl.u32 s13, $0x3;
	s30 =	sshll.u32 s29, $0x12;
	s1 =	sadd.s32 s24, s28  }
0x26: {  	[tilespmem:s25+$0x0 ss:$0x81] =	vst.msk $0xffff, v63;
	s31 =	sor.u32 $0x400, s30;
	s0 =	sand.u32 $0x3FFFFFFF, s0;
	s1 =	sadd.s32 s13, s1  }
0x27: {  	[hbm4b:s1+s31] =	stream.strided.scatter [tilespmem:s23], [sflag:$0x2], s0, s9, s31, $0x20;
	[tilespmem:$0x10100] =	vst v63  }
.LBB1_5:
0x28: {  	p1 =	slt.u32 s18, $0x2;
	s1 =	smov.u32 s22  }
0x29: {  	s23 =	smov.u32 s15;
	s24 =	smov.u32 s16;
	s25 =	smov.u32 s17  }
0x2a: {  	p0 =	por !p0, !p0;
	p2 =	sgt.s32 @!p1 s22, $0x1;
	s0 =	sshra.s32 @!p1 s22, $0x1F  }
0x2b: {  	s13 =	sshra.s32 @!p1 s21, $0x1F;
	p2 =	por !p2, p1;
	s0 =	sand.u32 @!p1 s0, s22  }
0x2c: {  	s1 =	simm.s32 @p2 $0x1;
	s0 =	sxor.u32 @!p1 $0xFFFFFFFF, s0;
	p2 =	sgt.s32 @!p1 s21, $0xDF  }
0x2d: {  	s0 =	sadd.s32 @!p1 s0, s1;
	p2 =	por !p2, p1;
	s1 =	smov.u32 s21  }
0x2e: {  	s13 =	sand.u32 @!p1 s13, s21;
	p3 =	sgt.s32 @!p1 s0, $0x0;
	s1 =	simm.s32 @p2 $0xDF  }
0x2f: {  	s0 =	ssub.s32 @!p1 $0x1, s0;
	p2 =	por !p3, p1;
	s1 =	ssub.s32 @!p1 s1, s13  }
0x30: {  	s21 =	sshra.s32 @!p1 s20, $0x1F;
	s0 =	simm.s32 @!p2 $0x0;
	s13 =	sadd.s32 @!p1 $0xFFFFFF21, s1  }
0x31: {  	p2 =	sgt.s32 @!p1 s20, $0x280;
	s1 =	ssub.s32 @!p1 $0xE0, s1;
	p3 =	sgt.s32 @!p1 s13, $0x0  }
0x32: {  	p2 =	por !p2, p1;
	s13 =	smov.u32 s20;
	s20 =	sand.u32 @!p1 s21, s20  }
0x33: {  	s21 =	sshra.s32 @!p1 s19, $0x1F;
	s13 =	simm.s32 @p2 $0x280;
	p2 =	sgt.s32 @!p1 s19, $0x60  }
0x34: {  	p3 =	por !p3, p1;
	s13 =	ssub.s32 @!p1 s13, s20;
	p2 =	por !p2, p1  }
0x35: {  	s20 =	smov.u32 s19;
	s19 =	sand.u32 @!p1 s21, s19;
	s21 =	sadd.s32 @!p1 $0xFFFFFD80, s13  }
0x36: {  	s1 =	simm.s32 @!p3 $0x0;
	s20 =	simm.s32 @p2 $0x60;
	p2 =	sgt.s32 @!p1 s21, $0x7F  }
0x37: {  	s13 =	ssub.s32 @!p1 $0x300, s13;
	s19 =	ssub.s32 @!p1 s20, s19;
	p2 =	por !p2, p1  }
0x38: {  	s20 =	sadd.s32 @!p1 $0xFFFFFFA0, s19;
	s19 =	ssub.s32 @!p1 $0xE0, s19;
	s13 =	simm.s32 @!p2 $0x0  }
0x39: {  	p2 =	sgt.s32 @!p1 s20, $0x7F;
	s0 =	smul.u32 @!p1 s0, s13;
	s13 =	sadd.s32 $0x80, s14  }
0x3a: {  	s20 =	sadd.s32 $0x10, s15;
	p2 =	por !p2, p1;
	p3 =	sgt.s32 s13, $0xDF  }
0x3b: {  	s22 =	smov.u32 s2;
	s19 =	simm.s32 @!p2 $0x0;
	s23 =	smov.u32 @p3 s20  }
0x3c: {  	s0 =	smul.u32 @!p1 s1, s0;
	s1 =	sadd.s32 $0x80, s16;
	p2 =	sgt.s32 s23, $0xDF  }
0x3d: {  	s2 =	smov.u32 s17;
	s21 =	smov.u32 s11;
	s24 =	smov.u32 @p2 s1  }
0x3e: {  	s13 =	simm.s32 @p3 $0x0;
	s1 =	sadd.s32 $0x2, s17;
	p3 =	sgt.s32 s24, $0x2FF  }
0x3f: {  	s11 =	smov.u32 s15;
	s20 =	smov.u32 s12;
	s25 =	smov.u32 @p3 s1  }
0x40: {  	s12 =	smov.u32 s16;
	s23 =	smov.u32 @p2 s7;
	p2 =	sgt.s32 s25, $0x1  }
0x41: {  	s0 =	smul.u32 @!p1 s19, s0;
	s25 =	smov.u32 @p2 s3;
	p2 =	sne.s32 s18, s8  }
.Ltmp1:
0x42: {  	s19 =	smov.u32 s10;
	s10 =	smov.u32 s14;
	(pc) =	sbr.rel @!p2 .LBB1_6-.Ltmp1, $4  }
0x43: {  	s14 =	smov.u32 s13;
	s0 =	sand.u32 @!p1 $0x3FFFFFFF, s0;
	s1 =	simm.s32 @!p1 $0x2  }
0x44: {  	s15 =	smov.u32 s23;
	s24 =	simm.s32 @p3 $0x0;
	_ =	swait.ge @!p1 [sflag:s1], s0  }
0x45: {  	s0 =	ssub.s32 @!p1 $0x0, s0;
	s16 =	smov.u32 s24;
	[sflag:s1] =	ssyncset.done @!p1 $0x0  }
0x46: {  	s18 =	sadd.s32 $0x1, s18;
	[sflag:s1] =	ssyncadd.s32 @!p1 s0;
	s17 =	smov.u32 s25  }
.LBB1_1:
0x47: {  	p1 =	sge.u32 s18, s6  }
0x48: {  	s23 =	sshll.u32 @!p1 s15, $0x8;
	s24 =	sshll.u32 @!p1 s14, $0x3  }
0x49: {  	s25 =	sshll.u32 @!p1 s15, $0x7;
	s23 =	sand.u32 @!p1 $0xFFFFF800, s23;
	s24 =	sand.u32 @!p1 $0xFFFFFC00, s24  }
0x4a: {  	s23 =	sadd.s32 @!p1 s23, s24;
	s24 =	sand.u32 @!p1 $0x300, s25  }
0x4b: {  	s23 =	sor.u32 @!p1 s24, s23  }
0x4c: {  	s23 =	sshrl.u32 @!p1 s23, $0x8  }
0x4d: {  	s24 =	smulhi.u32 @!p1 $0x124924A, s23  }
0x4e: {  	s31 =	sadd.s32 $0xFFFFFFFF, s18;
	s26 =	sxor.u32 @!p1 $0xFFFFFFFF, s18;
	s28 =	smul.u32 @!p1 $0x540000, s17  }
0x4f: {  	s27 =	sand.u32 @!p1 $0x78, s14;
	s25 =	sand.u32 @!p1 $0x80, s25;
	s24 =	smul.u32 @!p1 $0xE0, s24  }
0x50: {  	s26 =	sshll.u32 @!p1 s26, $0xE;
	s25 =	sor.u32 @!p1 s27, s25;
	s27 =	smul.u32 @!p1 $0x1C00, s16  }
0x51: {  	s23 =	ssub.s32 @!p1 s23, s24;
	s24 =	sand.u32 @!p1 $0x4000, s26;
	s26 =	sadd.s32 @!p1 s4, s28  }
0x52: {  	s25 =	sshrl.u32 @!p1 s25, $0x3;
	s26 =	sadd.s32 @!p1 s27, s26;
	s27 =	sand.u32 @!p1 $0x7, s14  }
0x53: {  	s23 =	sshll.u32 @!p1 s23, $0x5;
	s25 =	sadd.s32 @!p1 s25, s26;
	s26 =	sshll.u32 @!p1 s27, $0x12  }
0x54: {  	s23 =	sadd.s32 @!p1 s23, s25;
	s25 =	sor.u32 @!p1 $0x80, s26;
	s26 =	simm.s32 @!p1 $0xE000  }
0x55: {  	[tilespmem:s24], [sflag:$0x1] =	stream.strided.gather @!p1 [hbm4b:s23+s25], $0x4000, s26, s25, $0x38;
	[tilespmem:$0x10100] =	vst v63  }
0x56: {  	p1 =	sge.u32 s31, s6  }
.Ltmp2:
0x57: {  	_ = 	snop;
	(pc) =	sbr.rel @p1 .LBB1_5-.Ltmp2, $1  }
0x58: {  	_ =	sdelay $0x3  }
0x59: {  	s23 =	simm.s32 $0x1  }
0x5a: {  	_ =	swait.ge [sflag:s5], $0x4000;
	s23 =	simm.s32 @!p0 $0x0  }
0x5b: {  	[sflag:s5] =	ssyncset.done $0x0;
	s24 =	sshll.u32 s23, $0xE  }
0x5c: {  	[sflag:s5] =	ssyncadd.s32 $0xFFFFC000;
	s24 =	sor.u32 $0x40, s24  }
0x5d: {  	s23 =	smul.u32 $0x10200, s23;
	v0 =	vld [tilespmem:s24+$0x30]  }
0x5e: {  	v1 =	vld [tilespmem:s24+$0xFFFFFFD0]  }
0x5f: {  	s23 =	sshrl.u32 s23, $0x2;
	v5 =	vld [tilespmem:s24+$0xFFFFFFE0]  }
0x60: {  	v6 =	vld [tilespmem:s24+$0xFFFFFFF0];
	s25 =	sor.u32 $0x8000, s23  }
0x61: {  	s31 =	sand.u32 $0x1, s18;
	v4 =	vld [tilespmem:s24+$0x0];
	s26 =	sadd.s32 $0x0, s25  }
0x62: {  	v3 =	vld [tilespmem:s24+$0x10];
	s23 =	smul.u32 $0x10200, s31;
	[tilespmem:s26+$0x3870 ss:$0x81] =	vst.msk $0xffff, v0  }
0x63: {  	v2 =	vld [tilespmem:s24+$0x20];
	[tilespmem:s26+$0x810 ss:$0x81] =	vst.msk $0xffff, v1  }
0x64: {  	s23 =	sshrl.u32 s23, $0x2;
	v1 =	vld [tilespmem:s24+$0xFFFFFFC0];
	[tilespmem:s26+$0x1020 ss:$0x81] =	vst.msk $0xffff, v5;
	s24 =	sadd.s32 $0x80, s24  }
0x65: {  	s27 =	simm.s32 $0x4;
	s28 =	simm.s32 $0x8;
	s23 =	sor.u32 $0x8000, s23;
	[tilespmem:s26+$0x1830 ss:$0x81] =	vst.msk $0xffff, v6;
	v0 =	vld [tilespmem:s24+$0x30]  }
.LBB1_3:
0x66: {  	p1 =	sne.s32 s28, $0x1FC;
	v5 =	vld [tilespmem:s24+$0xFFFFFFD0];
	[tilespmem:s26+$0x2040 ss:$0x81] =	vst.msk $0xffff, v4  }
0x67: {  	v6 =	vld [tilespmem:s24+$0xFFFFFFE0];
	[tilespmem:s26+$0x2850 ss:$0x81] =	vst.msk $0xffff, v3  }
0x68: {  	s29 =	sshra.s32 s27, $0x2;
	s27 =	smov.u32 s28;
	v7 =	vld [tilespmem:s24+$0xFFFFFFF0];
	[tilespmem:s26+$0x3060 ss:$0x81] =	vst.msk $0xffff, v2  }
.Ltmp3:
0x69: {  	v4 =	vld [tilespmem:s24+$0x0];
	[tilespmem:s26+$0x0 ss:$0x81] =	vst.msk $0xffff, v1;
	s26 =	sadd.s32 s29, s25;
	(pc) =	sbr.rel @p1 .LBB1_3-.Ltmp3, $4  }
0x6a: {  	v3 =	vld [tilespmem:s24+$0x10];
	[tilespmem:s26+$0x3870 ss:$0x81] =	vst.msk $0xffff, v0  }
0x6b: {  	[tilespmem:s26+$0x810 ss:$0x81] =	vst.msk $0xffff, v5;
	v2 =	vld [tilespmem:s24+$0x20]  }
0x6c: {  	v1 =	vld [tilespmem:s24+$0xFFFFFFC0];
	[tilespmem:s26+$0x1020 ss:$0x81] =	vst.msk $0xffff, v6;
	s24 =	sadd.s32 $0x80, s24  }
0x6d: {  	s28 =	sadd.s32 $0x4, s28;
	v0 =	vld [tilespmem:s24+$0x30];
	[tilespmem:s26+$0x1830 ss:$0x81] =	vst.msk $0xffff, v7  }
.Ltmp4:
0x6e: {  	_ = 	snop;
	(pc) =	sbr.rel .LBB1_4-.Ltmp4, $1  }
0x6f: {  	_ =	sdelay $0x3  }
.LBB1_6:
0x70: {  	_ =	sfence.sel $0x180000  }
0x71: {  	s0 =	simm.s32 $0x1;
	[bflag:$0x0] =	sbarrier.arrive $0xFFFF  }
0x72: {  	s30 =	simm.s32 $0x2;
	[sflag:s0] =	ssyncpa.u1 $0x1  }
0x73: {  	[sflag:s30] =	ssyncpa.u1 $0x1  }
0x74: {  	_ =	strace $0x90000047  }
0x75: {  	s31 =	stileid.u32;
	[bflag:$0x2] =	sbarrier.arrive $0xFFFF  }
0x76: {  	p0 =	sne.s32 s31, $0x0;
	s0 =	rddreg [dreg:$0x2]  }
0x77: {  	s0 =	sadd.s32 @!p0 $0x100000, s0  }
0x78: {  	[sflag:s0] =	ssyncadd.tile.s32 @!p0 $0x1;
	_ =	shalt  }
.Lfunc_end1:
_tile_overlayer_lowered:
.L_overlay_start_2:
0x79: {  	(tag) =	ssettag $0x2  }
0x7a: {  	s0 =	rddreg [dreg:$0x0];
	s2 =	stileid.u32  }
0x7b: {  	s1 =	rddreg [dreg:$0x1];
	p0 =	sne.s32 s2, $0x0  }
0x7c: {  	s3 =	rddreg [dreg:$0x2];
	[bflag:$0x3] =	sbarrier.arrive $0xFFFF;
	s2 =	simm.s32 @!p0 $0x1C01  }
0x7d: {  	[timem:s3], [sflag:s2] =	dma.local @!p0 [hbm:s0], s1  }
0x7e: {  	s0 =	simm.s32 @!p0 $0x1  }
0x7f: {  	_ =	swait.ge @!p0 [sflag:s0], s1  }
0x80: {  	s1 =	ssub.s32 @!p0 $0x0, s1;
	[sflag:s0] =	ssyncset.done @!p0 $0x0  }
0x81: {  	[sflag:s0] =	ssyncadd.s32 @!p0 s1  }
0x82: {  	[bflag:$0x3] =	sbarrier.arrive $0xFFFF  }
0x83: {  	_ =	shalt  }

</sc_bundles>
